<compile_context>
chip_gen: v7x
topology: tpu7x:2x2x1
jax: 0.10.2.dev20260603
libtpu: 0.0.44.dev20260713+nightly
codegen_flags: <defaults>
</compile_context>

<pallas_src>
import functools

import jax
import jax.numpy as jnp
from jax import lax
from jax.experimental import pallas as pl
from jax.experimental.pallas import tpu as pltpu
from jax.experimental.pallas import tpu_sc as plsc

_N_E = 8192
_E_DIM = 64
_ROWS = 4608
_TA = 256
_GRID_A = _ROWS // _TA
_TB = 512
_GRID_B = _ROWS // _TB

_NC, _NS = 2, 16
_NW = _NC * _NS
_BPW = _ROWS // _NW
_CHUNK = 72
_D_PAD = 128
_NCHUNK = _BPW // _CHUNK


def _argmax_body(z_ref, embT_ref, enc_ref, idx_ref, perp_ref, counts_ref,
                 embTn_ref, e2_ref):
    i = pl.program_id(0)

    @pl.when(i == 0)
    def _init():
        embT = embT_ref[...]
        embTn = embT / jnp.clip(
            jnp.sqrt(jnp.sum(embT * embT, axis=0, keepdims=True)), 1e-12)
        embTn_ref[...] = embTn
        e2_ref[...] = jnp.sum(embTn * embTn, axis=0, keepdims=True)
        counts_ref[...] = jnp.zeros_like(counts_ref)

    zt = z_ref[...]
    zn = zt / jnp.clip(jnp.sqrt(jnp.sum(zt * zt, axis=1, keepdims=True)), 1e-12)
    z2 = jnp.sum(zn * zn, axis=1, keepdims=True)
    mm = jnp.dot(zn, embTn_ref[...], preferred_element_type=jnp.float32)
    d = (-z2 - e2_ref[...]) + 2.0 * mm
    m = jnp.max(d, axis=1, keepdims=True)
    iota = lax.broadcasted_iota(jnp.int32, (_TA, _N_E), 1).astype(jnp.float32)
    t = jnp.where(d == m, iota, -1.0)
    idxf = jnp.max(t, axis=1, keepdims=True)
    idx_ref[...] = idxf.astype(jnp.int32)
    oh = jnp.where(t == idxf, 1.0, 0.0).astype(jnp.float32)
    enc_ref[...] = oh
    ones = jnp.ones((1, _TA), jnp.float32)
    counts_ref[...] += jnp.dot(ones, oh, preferred_element_type=jnp.float32)

    @pl.when(i == _GRID_A - 1)
    def _fin():
        p = counts_ref[...] / _ROWS
        ent = jnp.sum(p * jnp.log(p + 1e-10), axis=1, keepdims=True)
        perp_ref[...] = jnp.exp(-ent)


@functools.cache
def _sc_gather_kernel():
    @functools.partial(
        pl.kernel,
        mesh=plsc.VectorSubcoreMesh(core_axis_name="c",
                                    subcore_axis_name="s"),
        out_type=jax.ShapeDtypeStruct((_ROWS, _D_PAD), jnp.float32),
        scratch_types=[
            pltpu.VMEM((_CHUNK,), jnp.int32),
            pltpu.VMEM((_CHUNK, _D_PAD), jnp.float32),
            pltpu.SemaphoreType.DMA,
        ],
    )
    def gather(emb_hbm, idx_hbm, out_hbm, idx_v, rows_v, sem):
        wid = lax.axis_index("s") * _NC + lax.axis_index("c")
        base = wid * _BPW
        for j in range(_NCHUNK):
            off = base + j * _CHUNK
            pltpu.sync_copy(idx_hbm.at[pl.ds(off, _CHUNK)], idx_v)
            pltpu.async_copy(emb_hbm.at[idx_v], rows_v, sem).wait()
            pltpu.sync_copy(rows_v, out_hbm.at[pl.ds(off, _CHUNK)])

    return gather


def _sc_gather(emb_pad, indices):
    return _sc_gather_kernel()(emb_pad, indices)


def kernel(z, embedding):
    zt = jnp.transpose(z, (0, 2, 1)).reshape(-1, _E_DIM)
    embT = embedding.T
    enc, idx, perp = pl.pallas_call(
        _argmax_body,
        grid=(_GRID_A,),
        in_specs=[
            pl.BlockSpec((_TA, _E_DIM), lambda i: (i, 0)),
            pl.BlockSpec((_E_DIM, _N_E), lambda i: (0, 0)),
        ],
        out_specs=[
            pl.BlockSpec((_TA, _N_E), lambda i: (i, 0)),
            pl.BlockSpec((_TA, 1), lambda i: (i, 0)),
            pl.BlockSpec((1, 1), lambda i: (0, 0)),
        ],
        out_shape=[
            jax.ShapeDtypeStruct((_ROWS, _N_E), jnp.float32),
            jax.ShapeDtypeStruct((_ROWS, 1), jnp.int32),
            jax.ShapeDtypeStruct((1, 1), jnp.float32),
        ],
        scratch_shapes=[
            pltpu.VMEM((1, _N_E), jnp.float32),
            pltpu.VMEM((_E_DIM, _N_E), jnp.float32),
            pltpu.VMEM((1, _N_E), jnp.float32),
        ],
    )(zt, embT)
    indices = idx.reshape(_ROWS)
    emb_pad = jnp.pad(embedding, ((0, 0), (0, _D_PAD - _E_DIM)))
    quant_flat = _sc_gather(emb_pad, indices)[:, :_E_DIM]
    quant = jnp.transpose(quant_flat.reshape(z.shape[0], -1, _E_DIM),
                          (0, 2, 1))
    zero = jnp.float32(0.0)
    return (quant, zero, zero, zero, zero, perp.reshape(()), enc, indices)

# --- scband reference (transcript-rebuilt; emitter-appended) ---
"""Pipeline reference for scband-vector-quantizer-25855703122382 (READ-ONLY COPY).

The authoritative reference and input builder live on the scoring server;
editing this copy changes nothing except your own understanding.
"""

import jax, jax.numpy as jnp
import numpy as np

N_E = 8192
E_DIM = 64

def _l2norm(x):
    return x / jnp.clip(jnp.linalg.norm(x, axis=-1, keepdims=True), 1e-12)

def setup_inputs(seed: int = 0) -> dict:
    key = jax.random.key(seed)
    k1, k2 = jax.random.split(key)
    z = jax.random.normal(k1, (8, E_DIM, 576), dtype=jnp.float32)
    emb = jax.random.uniform(k2, (N_E, E_DIM), dtype=jnp.float32, minval=-1.0 / N_E, maxval=1.0 / N_E)
    emb = _l2norm(emb)  # module normalizes codebook at init when l2_norm=True
    return {"z": z, "embedding": emb}

def reference(z, embedding):
    # eval-mode forward of VectorQuantizer (l2_norm=True, show_usage=False)
    z = jnp.transpose(z, (0, 2, 1))  # b c n -> b n c
    z_flat = z.reshape(-1, E_DIM)
    z = _l2norm(z)
    z_flat = _l2norm(z_flat)
    emb = _l2norm(embedding)
    d = (-jnp.sum(z_flat ** 2, axis=1, keepdims=True)
         - jnp.sum(emb ** 2, axis=1)
         + 2.0 * (z_flat @ emb.T))
    indices = jnp.argsort(d, axis=1)[:, -1]  # index of max distance score
    z_q = jnp.take(emb, indices, axis=0).reshape(z.shape)
    # straight-through estimator
    z_q = z + jax.lax.stop_gradient(z_q - z)
    quant = jnp.transpose(z_q, (0, 2, 1))  # b n c -> b c n
    min_encodings = jax.nn.one_hot(indices, N_E, dtype=z.dtype)
    avg_probs = jnp.mean(min_encodings, axis=0)
    perplexity = jnp.exp(-jnp.sum(avg_probs * jnp.log(avg_probs + 1e-10)))
    vq_loss = jnp.float32(0.0)
    commit_loss = jnp.float32(0.0)
    entropy_loss = jnp.float32(0.0)
    codebook_usage = jnp.float32(0.0)
    return (quant, vq_loss, commit_loss, entropy_loss, codebook_usage, perplexity, min_encodings, indices)

if __name__ == "__main__":
    import jax
    _d = setup_inputs()
    print(jax.jit(kernel)(*tuple(_d.values())))

</pallas_src>

<mosaic_0001>
#map = affine_map<(d0, d1) -> (0, 0)>
#map1 = affine_map<(d0, d1) -> (0)>
module attributes {stable_mosaic.version = 14 : i64} {
  func.func @gather(%arg0: i32, %arg1: i32, %arg2: memref<8192x128xf32, #tpu.memory_space<hbm>>, %arg3: memref<4608xi32, #tpu.memory_space<hbm>>, %arg4: memref<4608x128xf32, #tpu.memory_space<hbm>>, %arg5: memref<72xi32, #tpu.memory_space<vmem>>, %arg6: memref<72x128xf32, #tpu.memory_space<vmem>>, %arg7: memref<!tpu.dma_semaphore, #tpu.memory_space<semaphore_mem>>) attributes {dimension_semantics = [#tpu.dimension_semantics<core_parallel>, #tpu.dimension_semantics<subcore_parallel>], iteration_bounds = array<i64: 2, 16>, scalar_prefetch = 0 : i64, scratch_operands = 3 : i64, tpu.core_type = #tpu.core_type<sc_vector_subcore>, window_params = [{transform_indices = #map}, {transform_indices = #map1}, {transform_indices = #map}]} {
    %mul3A = arith.constant 2 : i32
    %mul3A_0 = arith.muli %arg1, %mul3A : i32
    %add3A = arith.addi %mul3A_0, %arg0 : i32
    %mul3A_1 = arith.constant 144 : i32
    %mul3A_2 = arith.muli %add3A, %mul3A_1 : i32
    %add3A_3 = arith.constant 0 : i32
    %add3A_4 = arith.addi %mul3A_2, %add3A_3 : i32
    "tpu.region"() ({
      %run_scoped3A = tpu.sem_alloc : memref<!tpu.dma_semaphore, #tpu.memory_space<semaphore_mem>>
      %dma_start3A_17 = tpu.memref_slice %arg3[%add3A_4] : memref<4608xi32, #tpu.memory_space<hbm>> -> memref<72xi32, #tpu.memory_space<hbm>>
      %dma_start3A_18 = tpu.memref_slice %arg3[%add3A_4] : memref<4608xi32, #tpu.memory_space<hbm>> -> memref<72xi32, #tpu.memory_space<hbm>>
      tpu.enqueue_dma source(%dma_start3A_18 : memref<72xi32, #tpu.memory_space<hbm>>) target(%arg5 : memref<72xi32, #tpu.memory_space<vmem>>) target_semaphore(%run_scoped3A : memref<!tpu.dma_semaphore, #tpu.memory_space<semaphore_mem>>)
      %dma_wait3A_19 = tpu.memref_slice %arg3[%add3A_4] : memref<4608xi32, #tpu.memory_space<hbm>> -> memref<72xi32, #tpu.memory_space<hbm>>
      %dma_wait3A_20 = tpu.memref_slice %arg3[%add3A_4] : memref<4608xi32, #tpu.memory_space<hbm>> -> memref<72xi32, #tpu.memory_space<hbm>>
      tpu.wait_dma2 semaphore(%run_scoped3A : memref<!tpu.dma_semaphore, #tpu.memory_space<semaphore_mem>>) src(%dma_wait3A_20 : memref<72xi32, #tpu.memory_space<hbm>>) dst(%arg5 : memref<72xi32, #tpu.memory_space<vmem>>)
      tpu.yield
    }) : () -> ()
    %dma_start3A = arith.constant 0 : i32
    %dma_start3A_5 = arith.constant 0 : i32
    %dma_start3A_6 = tpu.memref_slice %arg2[%dma_start3A, %dma_start3A_5] : memref<8192x128xf32, #tpu.memory_space<hbm>> -> memref<8192x128xf32, #tpu.memory_space<hbm>>
    tpu.enqueue_indirect_dma source(%dma_start3A_6 : memref<8192x128xf32, #tpu.memory_space<hbm>>) target(%arg6 : memref<72x128xf32, #tpu.memory_space<vmem>>) offsets(%arg5 : memref<72xi32, #tpu.memory_space<vmem>>) semaphore(%arg7 : memref<!tpu.dma_semaphore, #tpu.memory_space<semaphore_mem>>)
    %dma_wait3A = arith.constant 0 : i32
    %dma_wait3A_7 = arith.constant 0 : i32
    %dma_wait3A_8 = tpu.memref_slice %arg2[%dma_wait3A, %dma_wait3A_7] : memref<8192x128xf32, #tpu.memory_space<hbm>> -> memref<8192x128xf32, #tpu.memory_space<hbm>>
    tpu.wait_indirect_dma semaphore(%arg7 : memref<!tpu.dma_semaphore, #tpu.memory_space<semaphore_mem>>) src(%dma_wait3A_8 : memref<8192x128xf32, #tpu.memory_space<hbm>>) dst(%arg6 : memref<72x128xf32, #tpu.memory_space<vmem>>)
    "tpu.region"() ({
      %run_scoped3A = tpu.sem_alloc : memref<!tpu.dma_semaphore, #tpu.memory_space<semaphore_mem>>
      %dma_start3A_17 = arith.constant 0 : i32
      %dma_start3A_18 = tpu.memref_slice %arg4[%add3A_4, %dma_start3A_17] : memref<4608x128xf32, #tpu.memory_space<hbm>> -> memref<72x128xf32, #tpu.memory_space<hbm>>
      %dma_start3A_19 = arith.constant 0 : i32
      %dma_start3A_20 = tpu.memref_slice %arg4[%add3A_4, %dma_start3A_19] : memref<4608x128xf32, #tpu.memory_space<hbm>> -> memref<72x128xf32, #tpu.memory_space<hbm>>
      tpu.enqueue_dma source(%arg6 : memref<72x128xf32, #tpu.memory_space<vmem>>) target(%dma_start3A_20 : memref<72x128xf32, #tpu.memory_space<hbm>>) target_semaphore(%run_scoped3A : memref<!tpu.dma_semaphore, #tpu.memory_space<semaphore_mem>>)
      %dma_wait3A_21 = arith.constant 0 : i32
      %dma_wait3A_22 = tpu.memref_slice %arg4[%add3A_4, %dma_wait3A_21] : memref<4608x128xf32, #tpu.memory_space<hbm>> -> memref<72x128xf32, #tpu.memory_space<hbm>>
      %dma_wait3A_23 = arith.constant 0 : i32
      %dma_wait3A_24 = tpu.memref_slice %arg4[%add3A_4, %dma_wait3A_23] : memref<4608x128xf32, #tpu.memory_space<hbm>> -> memref<72x128xf32, #tpu.memory_space<hbm>>
      tpu.wait_dma2 semaphore(%run_scoped3A : memref<!tpu.dma_semaphore, #tpu.memory_space<semaphore_mem>>) src(%arg6 : memref<72x128xf32, #tpu.memory_space<vmem>>) dst(%dma_wait3A_24 : memref<72x128xf32, #tpu.memory_space<hbm>>)
      tpu.yield
    }) : () -> ()
    %add3A_9 = arith.constant 72 : i32
    %add3A_10 = arith.addi %mul3A_2, %add3A_9 : i32
    "tpu.region"() ({
      %run_scoped3A = tpu.sem_alloc : memref<!tpu.dma_semaphore, #tpu.memory_space<semaphore_mem>>
      %dma_start3A_17 = tpu.memref_slice %arg3[%add3A_10] : memref<4608xi32, #tpu.memory_space<hbm>> -> memref<72xi32, #tpu.memory_space<hbm>>
      %dma_start3A_18 = tpu.memref_slice %arg3[%add3A_10] : memref<4608xi32, #tpu.memory_space<hbm>> -> memref<72xi32, #tpu.memory_space<hbm>>
      tpu.enqueue_dma source(%dma_start3A_18 : memref<72xi32, #tpu.memory_space<hbm>>) target(%arg5 : memref<72xi32, #tpu.memory_space<vmem>>) target_semaphore(%run_scoped3A : memref<!tpu.dma_semaphore, #tpu.memory_space<semaphore_mem>>)
      %dma_wait3A_19 = tpu.memref_slice %arg3[%add3A_10] : memref<4608xi32, #tpu.memory_space<hbm>> -> memref<72xi32, #tpu.memory_space<hbm>>
      %dma_wait3A_20 = tpu.memref_slice %arg3[%add3A_10] : memref<4608xi32, #tpu.memory_space<hbm>> -> memref<72xi32, #tpu.memory_space<hbm>>
      tpu.wait_dma2 semaphore(%run_scoped3A : memref<!tpu.dma_semaphore, #tpu.memory_space<semaphore_mem>>) src(%dma_wait3A_20 : memref<72xi32, #tpu.memory_space<hbm>>) dst(%arg5 : memref<72xi32, #tpu.memory_space<vmem>>)
      tpu.yield
    }) : () -> ()
    %dma_start3A_11 = arith.constant 0 : i32
    %dma_start3A_12 = arith.constant 0 : i32
    %dma_start3A_13 = tpu.memref_slice %arg2[%dma_start3A_11, %dma_start3A_12] : memref<8192x128xf32, #tpu.memory_space<hbm>> -> memref<8192x128xf32, #tpu.memory_space<hbm>>
    tpu.enqueue_indirect_dma source(%dma_start3A_13 : memref<8192x128xf32, #tpu.memory_space<hbm>>) target(%arg6 : memref<72x128xf32, #tpu.memory_space<vmem>>) offsets(%arg5 : memref<72xi32, #tpu.memory_space<vmem>>) semaphore(%arg7 : memref<!tpu.dma_semaphore, #tpu.memory_space<semaphore_mem>>)
    %dma_wait3A_14 = arith.constant 0 : i32
    %dma_wait3A_15 = arith.constant 0 : i32
    %dma_wait3A_16 = tpu.memref_slice %arg2[%dma_wait3A_14, %dma_wait3A_15] : memref<8192x128xf32, #tpu.memory_space<hbm>> -> memref<8192x128xf32, #tpu.memory_space<hbm>>
    tpu.wait_indirect_dma semaphore(%arg7 : memref<!tpu.dma_semaphore, #tpu.memory_space<semaphore_mem>>) src(%dma_wait3A_16 : memref<8192x128xf32, #tpu.memory_space<hbm>>) dst(%arg6 : memref<72x128xf32, #tpu.memory_space<vmem>>)
    "tpu.region"() ({
      %run_scoped3A = tpu.sem_alloc : memref<!tpu.dma_semaphore, #tpu.memory_space<semaphore_mem>>
      %dma_start3A_17 = arith.constant 0 : i32
      %dma_start3A_18 = tpu.memref_slice %arg4[%add3A_10, %dma_start3A_17] : memref<4608x128xf32, #tpu.memory_space<hbm>> -> memref<72x128xf32, #tpu.memory_space<hbm>>
      %dma_start3A_19 = arith.constant 0 : i32
      %dma_start3A_20 = tpu.memref_slice %arg4[%add3A_10, %dma_start3A_19] : memref<4608x128xf32, #tpu.memory_space<hbm>> -> memref<72x128xf32, #tpu.memory_space<hbm>>
      tpu.enqueue_dma source(%arg6 : memref<72x128xf32, #tpu.memory_space<vmem>>) target(%dma_start3A_20 : memref<72x128xf32, #tpu.memory_space<hbm>>) target_semaphore(%run_scoped3A : memref<!tpu.dma_semaphore, #tpu.memory_space<semaphore_mem>>)
      %dma_wait3A_21 = arith.constant 0 : i32
      %dma_wait3A_22 = tpu.memref_slice %arg4[%add3A_10, %dma_wait3A_21] : memref<4608x128xf32, #tpu.memory_space<hbm>> -> memref<72x128xf32, #tpu.memory_space<hbm>>
      %dma_wait3A_23 = arith.constant 0 : i32
      %dma_wait3A_24 = tpu.memref_slice %arg4[%add3A_10, %dma_wait3A_23] : memref<4608x128xf32, #tpu.memory_space<hbm>> -> memref<72x128xf32, #tpu.memory_space<hbm>>
      tpu.wait_dma2 semaphore(%run_scoped3A : memref<!tpu.dma_semaphore, #tpu.memory_space<semaphore_mem>>) src(%arg6 : memref<72x128xf32, #tpu.memory_space<vmem>>) dst(%dma_wait3A_24 : memref<72x128xf32, #tpu.memory_space<hbm>>)
      tpu.yield
    }) : () -> ()
    return
  }
}

module attributes {stable_mosaic.version = 14 : i64} {
  func.func @_argmax_body(%arg0: i32, %arg1: memref<256x64xf32, #tpu.memory_space<vmem>>, %arg2: memref<64x8192xf32, #tpu.memory_space<vmem>>, %arg3: memref<256x8192xf32, #tpu.memory_space<vmem>>, %arg4: memref<256x1xi32, #tpu.memory_space<vmem>>, %arg5: memref<1x1xf32, #tpu.memory_space<vmem>>, %arg6: memref<1x8192xf32, #tpu.memory_space<vmem>>, %arg7: memref<64x8192xf32, #tpu.memory_space<vmem>>, %arg8: memref<1x8192xf32, #tpu.memory_space<vmem>>) attributes {dimension_semantics = [#tpu.dimension_semantics<arbitrary>], iteration_bounds = array<i64: 18>, scalar_prefetch = 0 : i64, scratch_operands = 3 : i64, tpu.core_type = #tpu.core_type<tc>, window_params = [{transform_indices = @transform_0, window_bounds = array<i64: 256, 64>}, {pipeline_mode = #tpu.pipeline_mode<synchronous>, transform_indices = @transform_1, window_bounds = array<i64: 64, 8192>}, {transform_indices = @transform_2, window_bounds = array<i64: 256, 8192>}, {transform_indices = @transform_3, window_bounds = array<i64: 256, 1>}, {pipeline_mode = #tpu.pipeline_mode<synchronous>, transform_indices = @transform_4, window_bounds = array<i64: 1, 1>}]} {
    %eq3A = arith.constant 0 : i32
    %eq3A_0 = arith.cmpi eq, %arg0, %eq3A : i32
    %convert_element_type3A = arith.extui %eq3A_0 : i1 to i32
    %cond3A = arith.constant 0 : i32
    %cond3A_1 = arith.cmpi ne, %convert_element_type3A, %cond3A : i32
    scf.if %cond3A_1 {
      %get3A_64 = arith.constant 0 : index
      %get3A_65 = arith.constant 0 : index
      %get3A_66 = vector.load %arg2[%get3A_64, %get3A_65] : memref<64x8192xf32, #tpu.memory_space<vmem>>, vector<64x8192xf32>
      %mul3A_67 = arith.mulf %get3A_66, %get3A_66 : vector<64x8192xf32>
      %reduce_sum3A_68 = arith.constant dense<0.000000e+00> : vector<8192xf32>
      %reduce_sum3A_69 = vector.multi_reduction <add>, %mul3A_67, %reduce_sum3A_68 [0] : vector<64x8192xf32> to vector<8192xf32>
      %broadcast_in_dim3A_70 = vector.shape_cast %reduce_sum3A_69 : vector<8192xf32> to vector<1x8192xf32>
      %sqrt3A_71 = math.sqrt %broadcast_in_dim3A_70 : vector<1x8192xf32>
      %jit3A_72 = arith.constant 9.99999996E-13 : f32
      %max3A_73 = vector.broadcast %jit3A_72 : f32 to vector<1x8192xf32>
      %max3A_74 = arith.maximumf %max3A_73, %sqrt3A_71 : vector<1x8192xf32>
      %div3A_75 = vector.broadcast %max3A_74 : vector<1x8192xf32> to vector<64x8192xf32>
      %div3A_76 = arith.divf %get3A_66, %div3A_75 : vector<64x8192xf32>
      %swap3A_77 = arith.constant 0 : index
      %swap3A_78 = arith.constant 0 : index
      %swap3A_79 = vector.load %arg7[%swap3A_77, %swap3A_78] : memref<64x8192xf32, #tpu.memory_space<vmem>>, vector<64x8192xf32>
      tpu.vector_store %arg7[%swap3A_77, %swap3A_78], %div3A_76 {strides = array<i32>} : memref<64x8192xf32, #tpu.memory_space<vmem>>, vector<64x8192xf32>,
      %mul3A_80 = arith.mulf %div3A_76, %div3A_76 : vector<64x8192xf32>
      %reduce_sum3A_81 = arith.constant dense<0.000000e+00> : vector<8192xf32>
      %reduce_sum3A_82 = vector.multi_reduction <add>, %mul3A_80, %reduce_sum3A_81 [0] : vector<64x8192xf32> to vector<8192xf32>
      %broadcast_in_dim3A_83 = vector.shape_cast %reduce_sum3A_82 : vector<8192xf32> to vector<1x8192xf32>
      %swap3A_84 = arith.constant 0 : index
      %swap3A_85 = arith.constant 0 : index
      %swap3A_86 = vector.load %arg8[%swap3A_84, %swap3A_85] : memref<1x8192xf32, #tpu.memory_space<vmem>>, vector<1x8192xf32>
      tpu.vector_store %arg8[%swap3A_84, %swap3A_85], %broadcast_in_dim3A_83 {strides = array<i32>} : memref<1x8192xf32, #tpu.memory_space<vmem>>, vector<1x8192xf32>,
      %broadcast_in_dim3A_87 = arith.constant 0.000000e+00 : f32
      %broadcast_in_dim3A_88 = vector.broadcast %broadcast_in_dim3A_87 : f32 to vector<1x8192xf32>
      %swap3A_89 = arith.constant 0 : index
      %swap3A_90 = arith.constant 0 : index
      %swap3A_91 = vector.load %arg6[%swap3A_89, %swap3A_90] : memref<1x8192xf32, #tpu.memory_space<vmem>>, vector<1x8192xf32>
      tpu.vector_store %arg6[%swap3A_89, %swap3A_90], %broadcast_in_dim3A_88 {strides = array<i32>} : memref<1x8192xf32, #tpu.memory_space<vmem>>, vector<1x8192xf32>,
    } else {
    }
    %get3A = arith.constant 0 : index
    %get3A_2 = arith.constant 0 : index
    %get3A_3 = vector.load %arg1[%get3A, %get3A_2] : memref<256x64xf32, #tpu.memory_space<vmem>>, vector<256x64xf32>
    %mul3A = arith.mulf %get3A_3, %get3A_3 : vector<256x64xf32>
    %reduce_sum3A = arith.constant dense<0.000000e+00> : vector<256xf32>
    %reduce_sum3A_4 = vector.multi_reduction <add>, %mul3A, %reduce_sum3A [1] : vector<256x64xf32> to vector<256xf32>
    %broadcast_in_dim3A = vector.shape_cast %reduce_sum3A_4 : vector<256xf32> to vector<256x1xf32>
    %sqrt3A = math.sqrt %broadcast_in_dim3A : vector<256x1xf32>
    %jit3A = arith.constant 9.99999996E-13 : f32
    %max3A = vector.broadcast %jit3A : f32 to vector<256x1xf32>
    %max3A_5 = arith.maximumf %max3A, %sqrt3A : vector<256x1xf32>
    %div3A = vector.broadcast %max3A_5 : vector<256x1xf32> to vector<256x64xf32>
    %div3A_6 = arith.divf %get3A_3, %div3A : vector<256x64xf32>
    %mul3A_7 = arith.mulf %div3A_6, %div3A_6 : vector<256x64xf32>
    %reduce_sum3A_8 = arith.constant dense<0.000000e+00> : vector<256xf32>
    %reduce_sum3A_9 = vector.multi_reduction <add>, %mul3A_7, %reduce_sum3A_8 [1] : vector<256x64xf32> to vector<256xf32>
    %broadcast_in_dim3A_10 = vector.shape_cast %reduce_sum3A_9 : vector<256xf32> to vector<256x1xf32>
    %get3A_11 = arith.constant 0 : index
    %get3A_12 = arith.constant 0 : index
    %get3A_13 = vector.load %arg7[%get3A_11, %get3A_12] : memref<64x8192xf32, #tpu.memory_space<vmem>>, vector<64x8192xf32>
    %dot_general3A = arith.constant dense<0.000000e+00> : vector<256x8192xf32>
    %dot_general3A_14 = tpu.matmul %div3A_6, %get3A_13, %dot_general3A {dimension_numbers = #tpu.dot_dimension_numbers<[1], [0], [0], [1], [0, 0, 1, 1], [], []>, transpose_lhs_hint = false} : vector<256x64xf32>, vector<64x8192xf32>, vector<256x8192xf32> -> vector<256x8192xf32>
    %neg3A = arith.constant 0.000000e+00 : f32
    %neg3A_15 = vector.broadcast %neg3A : f32 to vector<256x1xf32>
    %neg3A_16 = arith.subf %neg3A_15, %broadcast_in_dim3A_10 : vector<256x1xf32>
    %get3A_17 = arith.constant 0 : index
    %get3A_18 = arith.constant 0 : index
    %get3A_19 = vector.load %arg8[%get3A_17, %get3A_18] : memref<1x8192xf32, #tpu.memory_space<vmem>>, vector<1x8192xf32>
    %sub3A = vector.broadcast %neg3A_16 : vector<256x1xf32> to vector<256x8192xf32>
    %sub3A_20 = vector.broadcast %get3A_19 : vector<1x8192xf32> to vector<256x8192xf32>
    %sub3A_21 = arith.subf %sub3A, %sub3A_20 : vector<256x8192xf32>
    %mul3A_22 = arith.constant 2.000000e+00 : f32
    %mul3A_23 = vector.broadcast %mul3A_22 : f32 to vector<256x8192xf32>
    %mul3A_24 = arith.mulf %mul3A_23, %dot_general3A_14 : vector<256x8192xf32>
    %add3A = arith.addf %sub3A_21, %mul3A_24 : vector<256x8192xf32>
    %reduce_max3A = arith.constant dense<0xFF800000> : vector<256xf32>
    %reduce_max3A_25 = vector.multi_reduction <maximumf>, %add3A, %reduce_max3A [1] : vector<256x8192xf32> to vector<256xf32>
    %broadcast_in_dim3A_26 = vector.shape_cast %reduce_max3A_25 : vector<256xf32> to vector<256x1xf32>
    %iota3A = tpu.iota {dimensions = array<i32: 1>} : vector<256x8192xi32>
    %convert_element_type3A_27 = arith.sitofp %iota3A : vector<256x8192xi32> to vector<256x8192xf32>
    %eq3A_28 = vector.broadcast %broadcast_in_dim3A_26 : vector<256x1xf32> to vector<256x8192xf32>
    %eq3A_29 = arith.cmpf oeq, %add3A, %eq3A_28 : vector<256x8192xf32>
    %jit3A_30 = arith.constant -1.000000e+00 : f32
    %broadcast_in_dim3A_31 = vector.broadcast %jit3A_30 : f32 to vector<256x8192xf32>
    %select_n3A = arith.select %eq3A_29, %convert_element_type3A_27, %broadcast_in_dim3A_31 : vector<256x8192xi1>, vector<256x8192xf32>
    %reduce_max3A_32 = arith.constant dense<0xFF800000> : vector<256xf32>
    %reduce_max3A_33 = vector.multi_reduction <maximumf>, %select_n3A, %reduce_max3A_32 [1] : vector<256x8192xf32> to vector<256xf32>
    %broadcast_in_dim3A_34 = vector.shape_cast %reduce_max3A_33 : vector<256xf32> to vector<256x1xf32>
    %convert_element_type3A_35 = arith.fptosi %broadcast_in_dim3A_34 : vector<256x1xf32> to vector<256x1xi32>
    %swap3A = arith.constant 0 : index
    %swap3A_36 = arith.constant 0 : index
    %swap3A_37 = vector.load %arg4[%swap3A, %swap3A_36] : memref<256x1xi32, #tpu.memory_space<vmem>>, vector<256x1xi32>
    tpu.vector_store %arg4[%swap3A, %swap3A_36], %convert_element_type3A_35 {strides = array<i32>} : memref<256x1xi32, #tpu.memory_space<vmem>>, vector<256x1xi32>,
    %eq3A_38 = vector.broadcast %broadcast_in_dim3A_34 : vector<256x1xf32> to vector<256x8192xf32>
    %eq3A_39 = arith.cmpf oeq, %select_n3A, %eq3A_38 : vector<256x8192xf32>
    %jit3A_40 = arith.constant 1.000000e+00 : f32
    %jit3A_41 = arith.constant 0.000000e+00 : f32
    %broadcast_in_dim3A_42 = vector.broadcast %jit3A_40 : f32 to vector<256x8192xf32>
    %broadcast_in_dim3A_43 = vector.broadcast %jit3A_41 : f32 to vector<256x8192xf32>
    %select_n3A_44 = arith.select %eq3A_39, %broadcast_in_dim3A_42, %broadcast_in_dim3A_43 : vector<256x8192xi1>, vector<256x8192xf32>
    %swap3A_45 = arith.constant 0 : index
    %swap3A_46 = arith.constant 0 : index
    %swap3A_47 = vector.load %arg3[%swap3A_45, %swap3A_46] : memref<256x8192xf32, #tpu.memory_space<vmem>>, vector<256x8192xf32>
    tpu.vector_store %arg3[%swap3A_45, %swap3A_46], %select_n3A_44 {strides = array<i32>} : memref<256x8192xf32, #tpu.memory_space<vmem>>, vector<256x8192xf32>,
    %broadcast_in_dim3A_48 = arith.constant 1.000000e+00 : f32
    %broadcast_in_dim3A_49 = vector.broadcast %broadcast_in_dim3A_48 : f32 to vector<1x256xf32>
    %get3A_50 = arith.constant 0 : index
    %get3A_51 = arith.constant 0 : index
    %get3A_52 = vector.load %arg6[%get3A_50, %get3A_51] : memref<1x8192xf32, #tpu.memory_space<vmem>>, vector<1x8192xf32>
    %dot_general3A_53 = arith.constant dense<0.000000e+00> : vector<1x8192xf32>
    %dot_general3A_54 = tpu.matmul %broadcast_in_dim3A_49, %select_n3A_44, %dot_general3A_53 {dimension_numbers = #tpu.dot_dimension_numbers<[1], [0], [0], [1], [0, 0, 1, 1], [], []>, transpose_lhs_hint = false} : vector<1x256xf32>, vector<256x8192xf32>, vector<1x8192xf32> -> vector<1x8192xf32>
    %add3A_55 = arith.addf %get3A_52, %dot_general3A_54 : vector<1x8192xf32>
    %swap3A_56 = arith.constant 0 : index
    %swap3A_57 = arith.constant 0 : index
    %swap3A_58 = vector.load %arg6[%swap3A_56, %swap3A_57] : memref<1x8192xf32, #tpu.memory_space<vmem>>, vector<1x8192xf32>
    tpu.vector_store %arg6[%swap3A_56, %swap3A_57], %add3A_55 {strides = array<i32>} : memref<1x8192xf32, #tpu.memory_space<vmem>>, vector<1x8192xf32>,
    %eq3A_59 = arith.constant 17 : i32
    %eq3A_60 = arith.cmpi eq, %arg0, %eq3A_59 : i32
    %convert_element_type3A_61 = arith.extui %eq3A_60 : i1 to i32
    %cond3A_62 = arith.constant 0 : i32
    %cond3A_63 = arith.cmpi ne, %convert_element_type3A_61, %cond3A_62 : i32
    scf.if %cond3A_63 {
      %get3A_64 = arith.constant 0 : index
      %get3A_65 = arith.constant 0 : index
      %get3A_66 = vector.load %arg6[%get3A_64, %get3A_65] : memref<1x8192xf32, #tpu.memory_space<vmem>>, vector<1x8192xf32>
      %div3A_67 = arith.constant 4.608000e+03 : f32
      %div3A_68 = vector.broadcast %div3A_67 : f32 to vector<1x8192xf32>
      %div3A_69 = arith.divf %get3A_66, %div3A_68 : vector<1x8192xf32>
      %add3A_70 = arith.constant 1.000000e-10 : f32
      %add3A_71 = vector.broadcast %add3A_70 : f32 to vector<1x8192xf32>
      %add3A_72 = arith.addf %div3A_69, %add3A_71 : vector<1x8192xf32>
      %log3A = math.log %add3A_72 : vector<1x8192xf32>
      %mul3A_73 = arith.mulf %div3A_69, %log3A : vector<1x8192xf32>
      %reduce_sum3A_74 = arith.constant dense<0.000000e+00> : vector<1xf32>
      %reduce_sum3A_75 = vector.multi_reduction <add>, %mul3A_73, %reduce_sum3A_74 [1] : vector<1x8192xf32> to vector<1xf32>
      %broadcast_in_dim3A_76 = vector.shape_cast %reduce_sum3A_75 : vector<1xf32> to vector<1x1xf32>
      %neg3A_77 = arith.constant 0.000000e+00 : f32
      %neg3A_78 = vector.broadcast %neg3A_77 : f32 to vector<1x1xf32>
      %neg3A_79 = arith.subf %neg3A_78, %broadcast_in_dim3A_76 : vector<1x1xf32>
      %exp3A = math.exp %neg3A_79 : vector<1x1xf32>
      %swap3A_80 = arith.constant 0 : index
      %swap3A_81 = arith.constant 0 : index
      %swap3A_82 = vector.load %arg5[%swap3A_80, %swap3A_81] : memref<1x1xf32, #tpu.memory_space<vmem>>, vector<1x1xf32>
      tpu.vector_store %arg5[%swap3A_80, %swap3A_81], %exp3A {strides = array<i32>} : memref<1x1xf32, #tpu.memory_space<vmem>>, vector<1x1xf32>,
    } else {
    }
    return
  }
  func.func @transform_0(%arg0: i32) -> (i32, i32) {
    %c0_i32 = arith.constant 0 : i32
    %c0_i32_0 = arith.constant 0 : i32
    return %arg0, %c0_i32 : i32, i32
  }
  func.func @transform_1(%arg0: i32) -> (i32, i32) {
    %c0_i32 = arith.constant 0 : i32
    %c0_i32_0 = arith.constant 0 : i32
    %c0_i32_1 = arith.constant 0 : i32
    return %c0_i32, %c0_i32_0 : i32, i32
  }
  func.func @transform_2(%arg0: i32) -> (i32, i32) {
    %c0_i32 = arith.constant 0 : i32
    %c0_i32_0 = arith.constant 0 : i32
    return %arg0, %c0_i32 : i32, i32
  }
  func.func @transform_3(%arg0: i32) -> (i32, i32) {
    %c0_i32 = arith.constant 0 : i32
    %c0_i32_0 = arith.constant 0 : i32
    return %arg0, %c0_i32 : i32, i32
  }
  func.func @transform_4(%arg0: i32) -> (i32, i32) {
    %c0_i32 = arith.constant 0 : i32
    %c0_i32_0 = arith.constant 0 : i32
    %c0_i32_1 = arith.constant 0 : i32
    return %c0_i32, %c0_i32_0 : i32, i32
  }
}

</mosaic_0001>

<sc_bundles>
// kernel: kernel.4.cloned.1.call-start
scs
__scs_entry_jumppad:
0x0: {  	(pc) =	sbr.rel $0x88, $3  }
0x1: {  	(tag) =	ssettag $0x0;
	lr =	simm.s32 $0x1  }
0x2: {  	[smem:$0x3F9F] =	sst lr;
	_ =	strace $0xD0000000  }
0x3: {  	_ = 	snop  }
0x4: {  	_ = 	snop  }
0x5: {  	_ = 	snop  }
0x6: {  	_ = 	snop  }
0x7: {  	_ = 	snop  }
__scs_overlays_trampoline_lowered:
0x8: {  	[smem:$0x3FAE] =	sst s0  }
0x9: {  	[smem:$0x3FAF] =	sst s1  }
0xa: {  	[smem:$0x3FB0] =	sst s2  }
0xb: {  	[smem:$0x3FB1] =	sst s3  }
0xc: {  	[smem:$0x3FB2] =	sst s4  }
0xd: {  	[smem:$0x3FB3] =	sst s5  }
0xe: {  	[smem:$0x3FB4] =	sst s6  }
0xf: {  	[smem:$0x3FB5] =	sst s7  }
0x10: {  	[smem:$0x3FB6] =	sst s8  }
0x11: {  	[smem:$0x3FB7] =	sst s9;
	s0 =	simm.s32 @!p0 $0x0  }
0x12: {  	s1 =	sld [smem:$0x3F9D];
	s0 =	simm.s32 @p0 $0x1  }
0x13: {  	[smem:$0x3FB8] =	sst s0;
	s0 =	simm.s32 @!p1 $0x0  }
0x14: {  	s2 =	sld [smem:$0x3F9C];
	s0 =	simm.s32 @p1 $0x1  }
0x15: {  	[smem:$0x3FB9] =	sst s0;
	s0 =	simm.s32 @!p2 $0x0  }
0x16: {  	s3 =	sld [smem:$0x3FDB];
	s0 =	simm.s32 @p2 $0x1  }
0x17: {  	s4 =	simm.s32 $0x1BF5;
	[smem:$0x3FBB] =	sst s0  }
0x18: {  	s0 =	sld [smem:$0x3F9E];
	_ =	swait.ge [sflag:s4], $0x0  }
0x19: {  	s7 =	sld [smem:$0x3F9F]  }
0x1a: {  	s8 =	sadd.s32 $0xFFFFE003, lr  }
0x1b: {  	s9 =	sadd.s32 $0xFFFFFEF7, lr;
	s5 =	simm.s32 $0xFFFFFFFF;
	p2 =	slt.u32 s8, $0xFFFFF086  }
0x1c: {  	p1 =	slt.u32 s9, $0xF7A;
	s5 =	simm.s32 @!p2 $0x0  }
0x1d: {  	s5 =	simm.s32 @p1 $0x1;
	p0 =	seq.s32 s7, s2  }
0x1e: {  	s7 =	smul.u32 @!p0 $0xF7A, s2;
	p2 =	seq.s32 @!p0 s5, $0x0  }
0x1f: {  	s9 =	smul.u32 $0xF7A, s1;
	s8 =	simm.s32 @!p0 $0x1BF5;
	p2 =	por !p2, p0  }
0x20: {  	[sflag:s8] =	ssyncset.s32 @!p0 $0xFFFFF086;
	s6 =	sadd.s32 @!p0 s3, s7;
	s7 =	simm.s32 @!p0 $0x108  }
0x21: {  	s3 =	sadd.s32 s3, s9;
	s6 =	sadd.s32 @!p0 $0x88, s6;
	s7 =	simm.s32 @p2 $0x1082  }
0x22: {  	[simem:s7], [sflag:s8] =	dma.local @!p0 [hbm:s6], $0xF7A  }
0x23: {  	s9 =	sor.u32 $0xD0000000, s2;
	s6 =	simm.s32 $0x108;
	_ =	swait.ge @!p0 [sflag:s8], $0x0  }
0x24: {  	s3 =	sadd.s32 $0x88, s3;
	s6 =	simm.s32 @!p1 $0x1082;
	[sflag:s4] =	ssyncset.s32 $0xFFFFF086  }
0x25: {  	[simem:s6], [sflag:s4] =	dma.local [hbm:s3], $0xF7A  }
0x26: {  	[smem:$0x3F9F] =	sst s1;
	(tag) =	ssettag s2;
	_ =	strace s9  }
0x27: {  	s1 =	sld [smem:$0x3FAF]  }
0x28: {  	s2 =	sld [smem:$0x3FB0]  }
0x29: {  	s4 =	sld [smem:$0x3FB2]  }
0x2a: {  	p0 =	seq.s32 s5, $0x0;
	s5 =	sld [smem:$0x3FB3]  }
0x2b: {  	s6 =	sld [smem:$0x3FB4]  }
0x2c: {  	s7 =	sld [smem:$0x3FB5]  }
0x2d: {  	s3 =	simm.s32 $0x108;
	s8 =	sld [smem:$0x3FB6]  }
0x2e: {  	s3 =	simm.s32 @!p0 $0x1082;
	s9 =	sld [smem:$0x3FB7]  }
0x2f: {  	lr =	sadd.s32 s0, s3;
	s0 =	sld [smem:$0x3FAE]  }
0x30: {  	s3 =	sld [smem:$0x3FB1]  }
0x31: {  	[smem:$0x3FBA] =	sst s10  }
0x32: {  	s10 =	sld [smem:$0x3FB8];
	_ =	sdelay $0x3  }
0x33: {  	p0 =	seq.s32 s10, $0x1;
	s10 =	sld [smem:$0x3FBA];
	_ =	sdelay $0x3  }
0x34: {  	[smem:$0x3FBA] =	sst s10  }
0x35: {  	s10 =	sld [smem:$0x3FB9];
	_ =	sdelay $0x3  }
0x36: {  	p1 =	seq.s32 s10, $0x1;
	s10 =	sld [smem:$0x3FBA];
	_ =	sdelay $0x3  }
0x37: {  	[smem:$0x3FBA] =	sst s10  }
0x38: {  	s10 =	sld [smem:$0x3FBB]  }
0x39: {  	_ = 	snop;
	(pc) =	sbr.ind lr, $3  }
0x3a: {  	_ = 	snop  }
0x3b: {  	_ = 	snop  }
0x3c: {  	p2 =	seq.s32 s10, $0x1;
	s10 =	sld [smem:$0x3FBA]  }
0x3d: {  	_ =	shalt  }
0x3e: {  	_ =	shalt  }
0x3f: {  	_ =	shalt  }
0x40: {  	_ =	shalt  }
0x41: {  	_ =	shalt  }
0x42: {  	_ =	shalt  }
0x43: {  	_ =	shalt  }
0x44: {  	_ =	shalt  }
0x45: {  	_ =	shalt  }
0x46: {  	_ =	shalt  }
0x47: {  	_ =	shalt  }
0x48: {  	_ =	shalt  }
0x49: {  	_ =	shalt  }
0x4a: {  	_ =	shalt  }
0x4b: {  	_ =	shalt  }
0x4c: {  	_ =	shalt  }
0x4d: {  	_ =	shalt  }
0x4e: {  	_ =	shalt  }
0x4f: {  	_ =	shalt  }
0x50: {  	_ =	shalt  }
0x51: {  	_ =	shalt  }
0x52: {  	_ =	shalt  }
0x53: {  	_ =	shalt  }
0x54: {  	_ =	shalt  }
0x55: {  	_ =	shalt  }
0x56: {  	_ =	shalt  }
0x57: {  	_ =	shalt  }
0x58: {  	_ =	shalt  }
0x59: {  	_ =	shalt  }
0x5a: {  	_ =	shalt  }
0x5b: {  	_ =	shalt  }
0x5c: {  	_ =	shalt  }
0x5d: {  	_ =	shalt  }
0x5e: {  	_ =	shalt  }
0x5f: {  	_ =	shalt  }
0x60: {  	_ =	shalt  }
0x61: {  	_ =	shalt  }
0x62: {  	_ =	shalt  }
0x63: {  	_ =	shalt  }
0x64: {  	_ =	shalt  }
0x65: {  	_ =	shalt  }
0x66: {  	_ =	shalt  }
0x67: {  	_ =	shalt  }
0x68: {  	_ =	shalt  }
0x69: {  	_ =	shalt  }
0x6a: {  	_ =	shalt  }
0x6b: {  	_ =	shalt  }
0x6c: {  	_ =	shalt  }
0x6d: {  	_ =	shalt  }
0x6e: {  	_ =	shalt  }
0x6f: {  	_ =	shalt  }
0x70: {  	_ =	shalt  }
0x71: {  	_ =	shalt  }
0x72: {  	_ =	shalt  }
0x73: {  	_ =	shalt  }
0x74: {  	_ =	shalt  }
0x75: {  	_ =	shalt  }
0x76: {  	_ =	shalt  }
0x77: {  	_ =	shalt  }
0x78: {  	_ =	shalt  }
0x79: {  	_ =	shalt  }
0x7a: {  	_ =	shalt  }
0x7b: {  	_ =	shalt  }
0x7c: {  	_ =	shalt  }
0x7d: {  	_ =	shalt  }
0x7e: {  	_ =	shalt  }
0x7f: {  	_ =	shalt  }
0x80: {  	_ =	shalt  }
0x81: {  	_ =	shalt  }
0x82: {  	_ =	shalt  }
0x83: {  	_ =	shalt  }
0x84: {  	_ =	shalt  }
0x85: {  	_ =	shalt  }
0x86: {  	_ =	shalt  }
0x87: {  	_ =	shalt  }
.Lfunc_end0:
.L_simem_size_0:
called_computation_lowered:
.L_overlay_start_0:
0x88: {  	s2 =	sld [smem:$0x3FD9]  }
0x89: {  	s3 =	sld [smem:$0x3FFE];
	_ =	sdelay $0x1  }
0x8a: {  	s1 =	srdreg.scid  }
0x8b: {  	s0 =	sand.u32 $0x1, s1  }
0x8c: {  	s14 =	sshll.u32 s0, $0xA;
	s2 =	sadd.s32 s3, s2  }
0x8d: {  	s2 =	sadd.s32 s2, s14  }
0x8e: {  	[smem:$0x3FC6] =	sst s2  }
0x8f: {  	_ = 	snop  }
0x90: {  	s2 =	sld [smem:$0x3FD0];
	_ =	sdelay $0x2  }
0x91: {  	s15 =	simm.s32 $0xA;
	s4 =	simm.s32 $0x10  }
0x92: {  	[smem:s4], [sflag:s15] =	dma.local [hbm:s2], $0x1  }
0x93: {  	_ =	swait.eq [sflag:s15], $0x1  }
0x94: {  	[sflag:s15] =	ssyncset.done $0x0  }
0x95: {  	[sflag:s15] =	ssyncadd.s32 $0xFFFFFFFF  }
0x96: {  	s16 =	sld [smem:$0x17];
	(tm) =	ssettm $0x1  }
0x97: {  	s17 =	sld [smem:$0x3FFB];
	_ =	sdelay $0x3  }
0x98: {  	_ =	strace s17  }
0x99: {  	s3 =	sld [smem:$0x3FFC];
	_ =	sdelay $0x3  }
0x9a: {  	_ =	strace s3  }
0x9b: {  	s3 =	sld [smem:$0x3FFD];
	_ =	sdelay $0x3  }
0x9c: {  	_ =	strace s3  }
0x9d: {  	_ =	strace $0x8FFFFFFF  }
0x9e: {  	s18 =	sld [smem:$0x3FDB];
	_ =	sdelay $0x1  }
0x9f: {  	s19 =	simm.s32 $_scs_section_size  }
0xa0: {  	s5 =	simm.s32 $_size__tile_overlayer_lowered;
	s6 =	simm.s32 $_tile_overlayer_lowered  }
0xa1: {  	s22 =	simm.s32 $0x1BFF;
	s21 =	sshll.u32 s6, $0x1;
	s3 =	sadd.s32 s19, s18  }
0xa2: {  	s7 =	simm.s32 $0x0;
	s20 =	sshll.u32 s5, $0x1;
	s5 =	sadd.s32 s21, s3  }
0xa3: {  	[timem:s7], [sflag:s22] =	dma.local [hbm:s5], s20  }
0xa4: {  	_ =	swait.ge [sflag:s22], s20  }
0xa5: {  	s4 =	ssub.s32 $0x0, s20;
	[sflag:s22] =	ssyncset.done $0x0  }
0xa6: {  	[sflag:s22] =	ssyncadd.s32 s4;
	_ =	sdelay $0x1  }
0xa7: {  	s23 =	simm.s32 $0x1B8B  }
0xa8: {  	_ =	swait.ge [sflag:s23], $0x1  }
0xa9: {  	[sflag:s23] =	ssyncset.done $0x0  }
0xaa: {  	s25 =	simm.s32 $0x1B8E;
	s24 =	sld [smem:$0x3FFE];
	[sflag:s23] =	ssyncadd.s32 $0xFFFFFFFF  }
0xab: {  	s26 =	simm.s32 $execute0_lowered;
	[smem:$0x3FD2] =	sst s25  }
0xac: {  	s5 =	sshll.u32 s26, $0x1;
	_ =	strace $0x80000046;
	[dreg:$0x1] =	wrdreg $0xFFFFFFFF  }
0xad: {  	s28 =	simm.s32 $_size_execute0_lowered;
	s3 =	sadd.s32 s3, s5;
	[dreg:$0x0] =	wrdreg $0x0  }
0xae: {  	s5 =	sshll.u32 s28, $0x1;
	[dreg:$0x2] =	wrdreg s3  }
0xaf: {  	[dreg:$0x3] =	wrdreg s5  }
0xb0: {  	[dreg:$0x4] =	wrdreg $0xC0  }
0xb1: {  	_ =	task [dreg:s7], $0x5FFFF  }
0xb2: {  	[dreg:$0x1] =	wrdreg $0xFFFFFFFF  }
0xb3: {  	[dreg:$0x0] =	wrdreg $0x60  }
0xb4: {  	[dreg:$0x2] =	wrdreg s24  }
0xb5: {  	[dreg:$0x3] =	wrdreg s16  }
0xb6: {  	[dreg:$0x4] =	wrdreg $0x9  }
0xb7: {  	_ =	task.clear_ibuf [dreg:s7], $0x5FFFF;
	_ =	strace $0x90000046  }
0xb8: {  	s29 =	simm.s32 $0x9;
	_ =	strace $0x80000048  }
0xb9: {  	_ =	swait.ge [sflag:s29], $0x1  }
0xba: {  	[sflag:s29] =	ssyncadd.s32 $0xFFFFFFFF  }
0xbb: {  	_ =	strace $0x90000048  }
0xbc: {  	_ =	sfence  }
0xbd: {  	s30 =	sld [smem:$0x0];
	_ =	sdelay $0x2  }
0xbe: {  	s31 =	sshll.u32 s1, $0xD;
	s1 =	sshrl.u32 s1, $0x2  }
0xbf: {  	s3 =	sand.u32 $0x4000, s31;
	s1 =	sadd.s32 s1, s30  }
0xc0: {  	s0 =	sor.u32 s3, s0;
	s1 =	sshll.u32 s1, $0x11  }
0xc1: {  	s0 =	sor.u32 s1, s0  }
0xc2: {  	s0 =	sadd.s32 $0x8F2B, s0  }
0xc3: {  	[sflag:s0] =	ssyncadd.remote.s32 $0x1  }
0xc4: {  	_ =	sfence.sel $0xFFFF  }
0xc5: {  	[dreg:$0x0] =	wrdreg $0xFFFFFFFF;
	(pc) =	sbr.abs _section_cstart, $3  }
0xc6: {  	[dreg:$0x1] =	wrdreg $0xFFFFFFFF  }
0xc7: {  	_ =	task.clear_ibuf [dreg:s7], $0x2FFFF;
	_ =	strace $0x9FFFFFFF  }
0xc8: {  	(tm) =	ssettm $0x7FFFFFFF  }
0xc9: {  	_ =	shalt  }
tec
execute0_lowered:
.L_overlay_start_1:
0x0: {  	(tag) =	ssettag $0x1  }
0x1: {  	s1 =	srdreg.scid;
	s0 =	stileid.u32  }
0x2: {  	s11 =	sand.u32 $0x1, s1;
	s28 =	sshll.u32 s0, $0x1  }
0x3: {  	s9 =	rddreg [dreg:$0x0];
	s10 =	sor.u32 s11, s28  }
0x4: {  	s12 =	rddreg [dreg:$0x1];
	s13 =	smul.u32 $0x90, s10  }
0x5: {  	s2 =	simm.s32 $0x0;
	s1 =	rddreg [dreg:$0x2]  }
0x6: {  	[smem:$0x7FF] =	sst s2;
	s3 =	sshrl.u32 s13, $0x3  }
0x7: {  	_ =	strace $0x80000047;
	s4 =	sadd.s32 s12, s3;
	s3 =	simm.s32 $0x2  }
0x8: {  	[tilespmem:s2], [sflag:$0x2] =	stream.linear.gather [hbm4b:s4+s2], $0x48, $0x38;
	[tilespmem:$0x2480] =	vst v63  }
0x9: {  	_ =	swait.ge [sflag:s3], $0x48  }
0xa: {  	s6 =	simm.s32 $0x48;
	s7 =	simm.s32 $0x80;
	[sflag:s3] =	ssyncset.done $0x0  }
0xb: {  	s8 =	simm.s32 $0x1;
	s5 =	sadd.s32 $0x400, s9;
	[sflag:s3] =	ssyncadd.s32 $0xFFFFFFB8  }
0xc: {  	[tilespmem:s7], [sflag:$0x1] =	stream.indirect.gather [hbm4b:s5+s6], $0x80, s2, s6, $0xb8;
	[tilespmem:$0x2480] =	vst v63  }
0xd: {  	s10 =	smul.u32 $0x900, s10;
	_ =	swait.ge [sflag:s8], $0x2400  }
0xe: {  	s14 =	sadd.s32 $0x20400, s9;
	[sflag:s8] =	ssyncset.done $0x0  }
0xf: {  	s9 =	sadd.s32 s14, s10;
	[sflag:s8] =	ssyncadd.s32 $0xFFFFDC00  }
0x10: {  	[hbm4b:s9+s2] =	stream.linear.scatter [tilespmem:s7], [sflag:$0x2], $0x2400, $0x38;
	[tilespmem:$0x2480] =	vst v63  }
0x11: {  	s13 =	sadd.s32 $0x48, s13;
	_ =	swait.ge [sflag:s3], $0x2400  }
0x12: {  	s29 =	sshrl.u32 s13, $0x3;
	[sflag:s3] =	ssyncset.done $0x0  }
0x13: {  	s11 =	ssub.s32 $0x2, s11;
	s10 =	sadd.s32 s12, s29;
	[sflag:s3] =	ssyncadd.s32 $0xFFFFDC00  }
0x14: {  	[tilespmem:s2], [sflag:$0x2] =	stream.linear.gather [hbm4b:s10+s2], $0x48, $0x38;
	[tilespmem:$0x2480] =	vst v63  }
0x15: {  	s30 =	sshrl.u32 s11, $0x1;
	_ =	swait.ge [sflag:s3], $0x48  }
0x16: {  	s12 =	ssub.s32 s11, s30;
	[sflag:s3] =	ssyncset.done $0x0  }
0x17: {  	s12 =	smax.u32 s12, $0x1;
	[sflag:s3] =	ssyncadd.s32 $0xFFFFFFB8  }
0x18: {  	[tilespmem:s7], [sflag:$0x1] =	stream.indirect.gather [hbm4b:s5+s6], $0x80, s2, s6, $0xb8;
	[tilespmem:$0x2480] =	vst v63  }
0x19: {  	p0 =	sne.s32 s12, $0x1;
	_ =	swait.ge [sflag:s8], $0x2400  }
.Ltmp0:
0x1a: {  	s31 =	sshll.u32 s13, $0x4;
	[sflag:s8] =	ssyncset.done $0x0;
	(pc) =	sbr.rel @!p0 .LBB2_2-.Ltmp0, $4  }
0x1b: {  	s11 =	sadd.s32 s14, s31;
	[sflag:s8] =	ssyncadd.s32 $0xFFFFDC00  }
0x1c: {  	[hbm4b:s11+s2] =	stream.linear.scatter [tilespmem:s7], [sflag:$0x2], $0x2400, $0x38;
	[tilespmem:$0x2480] =	vst v63  }
0x1d: {  	_ =	swait.ge [sflag:s3], $0x2400  }
0x1e: {  	s12 =	sadd.s32 $0xFFFFFFFF, s12;
	[sflag:s3] =	ssyncset.done $0x0  }
.LBB2_1:
0x1f: {  	p0 =	sne.s32 s12, $0x1;
	s12 =	sadd.s32 $0xFFFFFFFF, s12;
	[sflag:s3] =	ssyncadd.s32 $0xFFFFDC00  }
0x20: {  	[tilespmem:s2], [sflag:$0x2] =	stream.linear.gather [hbm4b:s4+s2], $0x48, $0x38;
	[tilespmem:$0x2480] =	vst v63  }
0x21: {  	_ =	swait.ge [sflag:s3], $0x48  }
0x22: {  	[sflag:s3] =	ssyncset.done $0x0  }
0x23: {  	[sflag:s3] =	ssyncadd.s32 $0xFFFFFFB8  }
0x24: {  	[tilespmem:s7], [sflag:$0x1] =	stream.indirect.gather [hbm4b:s5+s6], $0x80, s2, s6, $0xb8;
	[tilespmem:$0x2480] =	vst v63  }
0x25: {  	_ =	swait.ge [sflag:s8], $0x2400  }
0x26: {  	[sflag:s8] =	ssyncset.done $0x0  }
0x27: {  	[sflag:s8] =	ssyncadd.s32 $0xFFFFDC00  }
0x28: {  	[hbm4b:s9+s2] =	stream.linear.scatter [tilespmem:s7], [sflag:$0x2], $0x2400, $0x38;
	[tilespmem:$0x2480] =	vst v63  }
0x29: {  	_ =	swait.ge [sflag:s3], $0x2400  }
0x2a: {  	[sflag:s3] =	ssyncset.done $0x0  }
0x2b: {  	[sflag:s3] =	ssyncadd.s32 $0xFFFFDC00  }
0x2c: {  	[tilespmem:s2], [sflag:$0x2] =	stream.linear.gather [hbm4b:s10+s2], $0x48, $0x38;
	[tilespmem:$0x2480] =	vst v63  }
0x2d: {  	_ =	swait.ge [sflag:s3], $0x48  }
0x2e: {  	[sflag:s3] =	ssyncset.done $0x0  }
0x2f: {  	[sflag:s3] =	ssyncadd.s32 $0xFFFFFFB8  }
0x30: {  	[tilespmem:s7], [sflag:$0x1] =	stream.indirect.gather [hbm4b:s5+s6], $0x80, s2, s6, $0xb8;
	[tilespmem:$0x2480] =	vst v63  }
0x31: {  	_ =	swait.ge [sflag:s8], $0x2400  }
.Ltmp1:
0x32: {  	[sflag:s8] =	ssyncset.done $0x0;
	(pc) =	sbr.rel @p0 .LBB2_1-.Ltmp1, $4  }
0x33: {  	[sflag:s8] =	ssyncadd.s32 $0xFFFFDC00  }
0x34: {  	[hbm4b:s11+s2] =	stream.linear.scatter [tilespmem:s7], [sflag:$0x2], $0x2400, $0x38;
	[tilespmem:$0x2480] =	vst v63  }
0x35: {  	_ =	swait.ge [sflag:s3], $0x2400  }
0x36: {  	[sflag:s3] =	ssyncset.done $0x0  }
.LBB2_2:
0x37: {  	[sflag:s3] =	ssyncadd.s32 $0xFFFFDC00  }
0x38: {  	_ =	sfence.sel $0x180000  }
0x39: {  	[bflag:$0x0] =	sbarrier.arrive $0xFFFF  }
0x3a: {  	p0 =	sne.s32 s0, $0x0;
	_ =	strace $0x90000047  }
0x3b: {  	s0 =	sadd.s32 @!p0 $0x100000, s1;
	[bflag:$0x2] =	sbarrier.arrive $0xFFFF  }
0x3c: {  	[sflag:s0] =	ssyncadd.tile.s32 @!p0 $0x1;
	_ =	shalt  }
.Lfunc_end2:
_tile_overlayer_lowered:
.L_overlay_start_2:
0x3d: {  	(tag) =	ssettag $0x2  }
0x3e: {  	s0 =	rddreg [dreg:$0x0];
	s2 =	stileid.u32  }
0x3f: {  	s1 =	rddreg [dreg:$0x1];
	p0 =	sne.s32 s2, $0x0  }
0x40: {  	s3 =	rddreg [dreg:$0x2];
	[bflag:$0x3] =	sbarrier.arrive $0xFFFF;
	s2 =	simm.s32 @!p0 $0x1C02  }
0x41: {  	[timem:s3], [sflag:s2] =	dma.local @!p0 [hbm:s0], s1  }
0x42: {  	s0 =	simm.s32 @!p0 $0x2  }
0x43: {  	_ =	swait.ge @!p0 [sflag:s0], s1  }
0x44: {  	s1 =	ssub.s32 @!p0 $0x0, s1;
	[sflag:s0] =	ssyncset.done @!p0 $0x0  }
0x45: {  	[sflag:s0] =	ssyncadd.s32 @!p0 s1  }
0x46: {  	[bflag:$0x3] =	sbarrier.arrive $0xFFFF  }
0x47: {  	_ =	shalt  }

</sc_bundles>
